<compile_context>
chip_gen: v7x
topology: tpu7x:2x2x1
jax: 0.10.2.dev20260603
libtpu: 0.0.44.dev20260713+nightly
codegen_flags: <defaults>
</compile_context>

<pallas_src>
import jax
import jax.numpy as jnp
import numpy as np
from jax import lax
from jax.experimental import pallas as pl
from jax.experimental.pallas import tpu as pltpu
from jax.experimental.pallas import tpu_sc as plsc

OUT_SHAPE = (4, 384, 384, 96)
N = int(np.prod(OUT_SHAPE))
M = int(np.prod((4, 192, 192, 96)))
MB = M // 16
NW = 32
NS = N // NW
W = 8192
WV = W // 16
OB = 65536
NT = NS // OB
BS_ITERS = int(np.ceil(np.log2(MB + 1)))


def _sc_body(skp_hbm, sv_hbm, out_hbm, idx_v, val_v, obuf_v, pr_v):
    wid = lax.axis_index("s") * 2 + lax.axis_index("c")
    lo = wid * NS
    hi = lo + NS

    zero16 = jnp.zeros((16,), jnp.float32)

    def _zero_obuf():
        def _z(i, c):
            obuf_v[pl.ds(i * 16, 16)] = zero16
            return c
        lax.fori_loop(0, OB // 16, _z, 0)

    def _flush(t2):
        off = pl.multiple_of(lo + t2 * OB, 8)
        pltpu.sync_copy(obuf_v, out_hbm.at[pl.ds(off, OB)])
        _zero_obuf()

    def _proc(tlo, tend):
        def _vreg(k, c):
            v = idx_v[pl.ds(k * 16, 16)]
            vs = idx_v[pl.ds(k * 16 + 1, 16)]
            u = val_v[pl.ds(k * 16, 16)]
            m = (v != vs) & (v >= tlo) & (v < tend)
            plsc.store_scatter(obuf_v, [v - tlo], u, mask=m)
            return c
        lax.fori_loop(0, WV, _vreg, 0)

    _zero_obuf()

    def _bsearch(bound):
        def body(_, lbub):
            lb, ub = lbub
            mid = (lb + ub) // 2
            off = pl.multiple_of(mid * 16, 8)
            pltpu.sync_copy(skp_hbm.at[pl.ds(off, 16)], pr_v)
            val = pr_v[...][0]
            pred = val >= bound
            return (jnp.where(pred, lb, mid), jnp.where(pred, mid, ub))
        lb, ub = lax.fori_loop(0, BS_ITERS, body,
                               (jnp.int32(-1), jnp.int32(MB)))
        return ub

    b_lo = _bsearch(lo)
    b_hi = _bsearch(hi)
    start = jnp.maximum(b_lo - 1, 0) * 16
    t_end = b_hi * 16
    nwin = (t_end - start + W - 1) // W

    def _window(j, t):
        base = pl.multiple_of(jnp.minimum(start + j * W, M - W), 8)
        pltpu.sync_copy(skp_hbm.at[pl.ds(base, W + 16)], idx_v)
        pltpu.sync_copy(sv_hbm.at[pl.ds(base, W)], val_v)
        last_v = idx_v[pl.ds(W - 16, 16)][15]

        def _cond(t2):
            return (t2 < NT) & (last_v >= lo + (t2 + 1) * OB)

        def _adv(t2):
            tlo = lo + t2 * OB
            _proc(tlo, tlo + OB)
            _flush(t2)
            return t2 + 1

        t = lax.while_loop(_cond, _adv, t)
        tlo = lo + t * OB
        _proc(tlo, tlo + OB)
        return t

    t = lax.fori_loop(0, nwin, _window, jnp.int32(0))

    def _tail(t2, c):
        _flush(t2)
        return c
    lax.fori_loop(t, NT, _tail, 0)


@jax.jit
def _scatter(skp, sv):
    mesh = plsc.VectorSubcoreMesh(core_axis_name="c", subcore_axis_name="s",
                                  num_cores=2, num_subcores=16)
    return pl.kernel(
        _sc_body,
        out_type=jax.ShapeDtypeStruct((N,), jnp.float32),
        mesh=mesh,
        compiler_params=pltpu.CompilerParams(needs_layout_passes=False),
        scratch_types=[
            pltpu.VMEM((W + 16,), jnp.int32),
            pltpu.VMEM((W,), jnp.float32),
            pltpu.VMEM((OB,), jnp.float32),
            pltpu.VMEM((16,), jnp.int32),
        ],
    )(skp, sv)


def kernel(x, indices):
    idx = indices.ravel().astype(jnp.int32)
    keys = jnp.where(idx < 0, idx + N, idx)
    sk, sv = lax.sort((keys, x.ravel()), dimension=0, num_keys=1,
                      is_stable=False)
    skp = jnp.concatenate([sk, jnp.full((16,), -1, jnp.int32)])
    out = _scatter(skp, sv)
    return out.reshape(OUT_SHAPE)

# --- scband reference (transcript-rebuilt; emitter-appended) ---
"""Pipeline reference for scband-max-unpool-47631187312986 (READ-ONLY COPY).

The authoritative reference and input builder live on the scoring server;
editing this copy changes nothing except your own understanding.
"""

import jax, jax.numpy as jnp
import numpy as np

POOL_DIM = 2
KERNEL = (2, 2)
STRIDE = (2, 2)
PADDING = (0, 0)

X_SHAPE = (4, 192, 192, 96)


def _output_shape(x_shape):
    # channel_axis=-1, ndim=4 -> spatial_start = ndim - pool_dim - 1 = 1
    spatial = x_shape[1:3]
    out_spatial = tuple((spatial[i] - 1) * STRIDE[i] - 2 * PADDING[i] + KERNEL[i] for i in range(POOL_DIM))
    return (x_shape[0], out_spatial[0], out_spatial[1], x_shape[3])


def setup_inputs(seed: int = 0) -> dict:
    key = jax.random.key(seed)
    k1, k2 = jax.random.split(key)
    x = jax.random.normal(k1, X_SHAPE, dtype=jnp.float32)
    out_shape = _output_shape(X_SHAPE)
    total = int(np.prod(out_shape))
    indices = jax.random.randint(k2, X_SHAPE, 0, total, dtype=jnp.int64)
    return {"x": x, "indices": indices}


def reference(x, indices):
    # Faithful translation of _MaxUnpool._unpool_nd with output_size=None:
    # compute output shape from kernel/stride/padding, then flat scatter-overwrite.
    output_shape = _output_shape(x.shape)
    flat_output = jnp.zeros((int(np.prod(output_shape)),), dtype=x.dtype)
    flat_output = flat_output.at[indices.ravel()].set(x.ravel())
    return flat_output.reshape(output_shape)

if __name__ == "__main__":
    import jax
    _d = setup_inputs()
    print(jax.jit(kernel)(*tuple(_d.values())))

</pallas_src>

<mosaic_0001>
#map = affine_map<(d0, d1) -> (0)>
module attributes {stable_mosaic.version = 14 : i64} {
  func.func @_sc_body(%arg0: i32, %arg1: i32, %arg2: memref<14155792xi32, #tpu.memory_space<hbm>>, %arg3: memref<14155776xf32, #tpu.memory_space<hbm>>, %arg4: memref<56623104xf32, #tpu.memory_space<hbm>>, %arg5: memref<8208xi32, #tpu.memory_space<vmem>>, %arg6: memref<8192xf32, #tpu.memory_space<vmem>>, %arg7: memref<65536xf32, #tpu.memory_space<vmem>>, %arg8: memref<16xi32, #tpu.memory_space<vmem>>) attributes {dimension_semantics = [#tpu.dimension_semantics<core_parallel>, #tpu.dimension_semantics<subcore_parallel>], iteration_bounds = array<i64: 2, 16>, scalar_prefetch = 0 : i64, scratch_operands = 4 : i64, tpu.core_type = #tpu.core_type<sc_vector_subcore>, window_params = [{transform_indices = #map}, {transform_indices = #map}, {transform_indices = #map}]} {
    %mul3A = arith.constant 2 : i32
    %mul3A_0 = arith.muli %arg1, %mul3A : i32
    %add3A = arith.addi %mul3A_0, %arg0 : i32
    %mul3A_1 = arith.constant 1769472 : i32
    %mul3A_2 = arith.muli %add3A, %mul3A_1 : i32
    %add3A_3 = arith.constant 1769472 : i32
    %add3A_4 = arith.addi %mul3A_2, %add3A_3 : i32
    %broadcast_in_dim3A = arith.constant 0.000000e+00 : f32
    %broadcast_in_dim3A_5 = vector.broadcast %broadcast_in_dim3A : f32 to vector<16xf32>
    %scan3A = arith.constant 0 : i32
    %scan3A_6 = arith.constant 0 : i32
    %scan3A_7 = arith.constant 4096 : i32
    %scan3A_8 = arith.addi %scan3A_6, %scan3A_7 : i32
    %scan3A_9 = arith.constant 1 : i32
    scf.for %scan3A_76 = %scan3A_6 to %scan3A_8 step %scan3A_9  : i32 {
      %mul3A_77 = arith.constant 16 : i32
      %mul3A_78 = arith.muli %scan3A_76, %mul3A_77 : i32
      %swap3A = arith.index_cast %mul3A_78 : i32 to index
      %swap3A_79 = tpu.vector_load %arg7[%swap3A] {strides = array<i32>} : memref<65536xf32, #tpu.memory_space<vmem>>, vector<16xf32>,
      tpu.vector_store %arg7[%swap3A], %broadcast_in_dim3A_5 {strides = array<i32>} : memref<65536xf32, #tpu.memory_space<vmem>>, vector<16xf32>,
    }
    %scan3A_10 = arith.constant 4096 : i32
    %scan3A_11 = arith.constant -1 : i32
    %scan3A_12 = arith.constant 884736 : i32
    %scan3A_13 = arith.constant 0 : i32
    %scan3A_14 = arith.constant 20 : i32
    %scan3A_15 = arith.addi %scan3A_13, %scan3A_14 : i32
    %scan3A_16 = arith.constant 1 : i32
    %scan3A_17:2 = scf.for %scan3A_76 = %scan3A_13 to %scan3A_15 step %scan3A_16 iter_args(%scan3A_77 = %scan3A_11, %scan3A_78 = %scan3A_12) -> (i32, i32)  : i32 {
      %add3A_79 = arith.addi %scan3A_77, %scan3A_78 : i32
      %jit3A_80 = arith.constant 2 : i32
      %div3A_81 = arith.divsi %add3A_79, %jit3A_80 : i32
      %sign3A_82 = arith.constant 0 : i32
      %sign3A_83 = arith.cmpi sgt, %add3A_79, %sign3A_82 : i32
      %sign3A_84 = arith.extui %sign3A_83 : i1 to i32
      %sign3A_85 = arith.constant 0 : i32
      %sign3A_86 = arith.cmpi slt, %add3A_79, %sign3A_85 : i32
      %sign3A_87 = arith.extui %sign3A_86 : i1 to i32
      %sign3A_88 = arith.subi %sign3A_84, %sign3A_87 : i32
      %sign3A_89 = arith.constant 0 : i32
      %sign3A_90 = arith.cmpi sgt, %jit3A_80, %sign3A_89 : i32
      %sign3A_91 = arith.extui %sign3A_90 : i1 to i32
      %sign3A_92 = arith.constant 0 : i32
      %sign3A_93 = arith.cmpi slt, %jit3A_80, %sign3A_92 : i32
      %sign3A_94 = arith.extui %sign3A_93 : i1 to i32
      %sign3A_95 = arith.subi %sign3A_91, %sign3A_94 : i32
      %ne3A_96 = arith.cmpi ne, %sign3A_88, %sign3A_95 : i32
      %rem3A_97 = arith.remsi %add3A_79, %jit3A_80 : i32
      %ne3A_98 = arith.constant 0 : i32
      %ne3A_99 = arith.cmpi ne, %rem3A_97, %ne3A_98 : i32
      %and3A_100 = arith.andi %ne3A_96, %ne3A_99 : i1
      %sub3A_101 = arith.constant 1 : i32
      %sub3A_102 = arith.subi %div3A_81, %sub3A_101 : i32
      %select_n3A_103 = arith.select %and3A_100, %sub3A_102, %div3A_81 : i32
      %mul3A_104 = arith.constant 16 : i32
      %mul3A_105 = arith.muli %select_n3A_103, %mul3A_104 : i32
      %multiple_of3A = tpu.assume_multiple %mul3A_105, 8 : i32
      "tpu.region"() ({
        %run_scoped3A = tpu.sem_alloc : memref<!tpu.dma_semaphore, #tpu.memory_space<semaphore_mem>>
        %dma_start3A = tpu.memref_slice %arg2[%multiple_of3A] : memref<14155792xi32, #tpu.memory_space<hbm>> -> memref<16xi32, #tpu.memory_space<hbm>>
        %dma_start3A_109 = tpu.memref_slice %arg2[%multiple_of3A] : memref<14155792xi32, #tpu.memory_space<hbm>> -> memref<16xi32, #tpu.memory_space<hbm>>
        tpu.enqueue_dma source(%dma_start3A_109 : memref<16xi32, #tpu.memory_space<hbm>>) target(%arg8 : memref<16xi32, #tpu.memory_space<vmem>>) target_semaphore(%run_scoped3A : memref<!tpu.dma_semaphore, #tpu.memory_space<semaphore_mem>>)
        %dma_wait3A = tpu.memref_slice %arg2[%multiple_of3A] : memref<14155792xi32, #tpu.memory_space<hbm>> -> memref<16xi32, #tpu.memory_space<hbm>>
        %dma_wait3A_110 = tpu.memref_slice %arg2[%multiple_of3A] : memref<14155792xi32, #tpu.memory_space<hbm>> -> memref<16xi32, #tpu.memory_space<hbm>>
        tpu.wait_dma2 semaphore(%run_scoped3A : memref<!tpu.dma_semaphore, #tpu.memory_space<semaphore_mem>>) src(%dma_wait3A_110 : memref<16xi32, #tpu.memory_space<hbm>>) dst(%arg8 : memref<16xi32, #tpu.memory_space<vmem>>)
        tpu.yield
      }) : () -> ()
      %get3A = arith.constant 0 : index
      %get3A_106 = tpu.vector_load %arg8[%get3A] {strides = array<i32>} : memref<16xi32, #tpu.memory_space<vmem>>, vector<16xi32>,
      %slice3A = vector.extract_strided_slice %get3A_106 {offsets = [0], sizes = [1], strides = [1]} : vector<16xi32> to vector<1xi32>
      %squeeze3A = vector.extract %slice3A[0] : i32 from vector<1xi32>
      %ge3A = arith.cmpi sge, %squeeze3A, %mul3A_2 : i32
      %select_n3A_107 = arith.select %ge3A, %scan3A_77, %select_n3A_103 : i32
      %select_n3A_108 = arith.select %ge3A, %select_n3A_103, %scan3A_78 : i32
      scf.yield %select_n3A_107, %select_n3A_108 : i32, i32
    }
    %scan3A_18 = arith.constant 20 : i32
    %scan3A_19 = arith.constant -1 : i32
    %scan3A_20 = arith.constant 884736 : i32
    %scan3A_21 = arith.constant 0 : i32
    %scan3A_22 = arith.constant 20 : i32
    %scan3A_23 = arith.addi %scan3A_21, %scan3A_22 : i32
    %scan3A_24 = arith.constant 1 : i32
    %scan3A_25:2 = scf.for %scan3A_76 = %scan3A_21 to %scan3A_23 step %scan3A_24 iter_args(%scan3A_77 = %scan3A_19, %scan3A_78 = %scan3A_20) -> (i32, i32)  : i32 {
      %add3A_79 = arith.addi %scan3A_77, %scan3A_78 : i32
      %jit3A_80 = arith.constant 2 : i32
      %div3A_81 = arith.divsi %add3A_79, %jit3A_80 : i32
      %sign3A_82 = arith.constant 0 : i32
      %sign3A_83 = arith.cmpi sgt, %add3A_79, %sign3A_82 : i32
      %sign3A_84 = arith.extui %sign3A_83 : i1 to i32
      %sign3A_85 = arith.constant 0 : i32
      %sign3A_86 = arith.cmpi slt, %add3A_79, %sign3A_85 : i32
      %sign3A_87 = arith.extui %sign3A_86 : i1 to i32
      %sign3A_88 = arith.subi %sign3A_84, %sign3A_87 : i32
      %sign3A_89 = arith.constant 0 : i32
      %sign3A_90 = arith.cmpi sgt, %jit3A_80, %sign3A_89 : i32
      %sign3A_91 = arith.extui %sign3A_90 : i1 to i32
      %sign3A_92 = arith.constant 0 : i32
      %sign3A_93 = arith.cmpi slt, %jit3A_80, %sign3A_92 : i32
      %sign3A_94 = arith.extui %sign3A_93 : i1 to i32
      %sign3A_95 = arith.subi %sign3A_91, %sign3A_94 : i32
      %ne3A_96 = arith.cmpi ne, %sign3A_88, %sign3A_95 : i32
      %rem3A_97 = arith.remsi %add3A_79, %jit3A_80 : i32
      %ne3A_98 = arith.constant 0 : i32
      %ne3A_99 = arith.cmpi ne, %rem3A_97, %ne3A_98 : i32
      %and3A_100 = arith.andi %ne3A_96, %ne3A_99 : i1
      %sub3A_101 = arith.constant 1 : i32
      %sub3A_102 = arith.subi %div3A_81, %sub3A_101 : i32
      %select_n3A_103 = arith.select %and3A_100, %sub3A_102, %div3A_81 : i32
      %mul3A_104 = arith.constant 16 : i32
      %mul3A_105 = arith.muli %select_n3A_103, %mul3A_104 : i32
      %multiple_of3A = tpu.assume_multiple %mul3A_105, 8 : i32
      "tpu.region"() ({
        %run_scoped3A = tpu.sem_alloc : memref<!tpu.dma_semaphore, #tpu.memory_space<semaphore_mem>>
        %dma_start3A = tpu.memref_slice %arg2[%multiple_of3A] : memref<14155792xi32, #tpu.memory_space<hbm>> -> memref<16xi32, #tpu.memory_space<hbm>>
        %dma_start3A_109 = tpu.memref_slice %arg2[%multiple_of3A] : memref<14155792xi32, #tpu.memory_space<hbm>> -> memref<16xi32, #tpu.memory_space<hbm>>
        tpu.enqueue_dma source(%dma_start3A_109 : memref<16xi32, #tpu.memory_space<hbm>>) target(%arg8 : memref<16xi32, #tpu.memory_space<vmem>>) target_semaphore(%run_scoped3A : memref<!tpu.dma_semaphore, #tpu.memory_space<semaphore_mem>>)
        %dma_wait3A = tpu.memref_slice %arg2[%multiple_of3A] : memref<14155792xi32, #tpu.memory_space<hbm>> -> memref<16xi32, #tpu.memory_space<hbm>>
        %dma_wait3A_110 = tpu.memref_slice %arg2[%multiple_of3A] : memref<14155792xi32, #tpu.memory_space<hbm>> -> memref<16xi32, #tpu.memory_space<hbm>>
        tpu.wait_dma2 semaphore(%run_scoped3A : memref<!tpu.dma_semaphore, #tpu.memory_space<semaphore_mem>>) src(%dma_wait3A_110 : memref<16xi32, #tpu.memory_space<hbm>>) dst(%arg8 : memref<16xi32, #tpu.memory_space<vmem>>)
        tpu.yield
      }) : () -> ()
      %get3A = arith.constant 0 : index
      %get3A_106 = tpu.vector_load %arg8[%get3A] {strides = array<i32>} : memref<16xi32, #tpu.memory_space<vmem>>, vector<16xi32>,
      %slice3A = vector.extract_strided_slice %get3A_106 {offsets = [0], sizes = [1], strides = [1]} : vector<16xi32> to vector<1xi32>
      %squeeze3A = vector.extract %slice3A[0] : i32 from vector<1xi32>
      %ge3A = arith.cmpi sge, %squeeze3A, %add3A_4 : i32
      %select_n3A_107 = arith.select %ge3A, %scan3A_77, %select_n3A_103 : i32
      %select_n3A_108 = arith.select %ge3A, %select_n3A_103, %scan3A_78 : i32
      scf.yield %select_n3A_107, %select_n3A_108 : i32, i32
    }
    %scan3A_26 = arith.constant 20 : i32
    %sub3A = arith.constant 1 : i32
    %sub3A_27 = arith.subi %scan3A_17#1, %sub3A : i32
    %max3A = arith.constant 0 : i32
    %max3A_28 = arith.maxsi %sub3A_27, %max3A : i32
    %mul3A_29 = arith.constant 16 : i32
    %mul3A_30 = arith.muli %max3A_28, %mul3A_29 : i32
    %mul3A_31 = arith.constant 16 : i32
    %mul3A_32 = arith.muli %scan3A_25#1, %mul3A_31 : i32
    %sub3A_33 = arith.subi %mul3A_32, %mul3A_30 : i32
    %add3A_34 = arith.constant 8192 : i32
    %add3A_35 = arith.addi %sub3A_33, %add3A_34 : i32
    %sub3A_36 = arith.constant 1 : i32
    %sub3A_37 = arith.subi %add3A_35, %sub3A_36 : i32
    %jit3A = arith.constant 8192 : i32
    %div3A = arith.divsi %sub3A_37, %jit3A : i32
    %sign3A = arith.constant 0 : i32
    %sign3A_38 = arith.cmpi sgt, %sub3A_37, %sign3A : i32
    %sign3A_39 = arith.extui %sign3A_38 : i1 to i32
    %sign3A_40 = arith.constant 0 : i32
    %sign3A_41 = arith.cmpi slt, %sub3A_37, %sign3A_40 : i32
    %sign3A_42 = arith.extui %sign3A_41 : i1 to i32
    %sign3A_43 = arith.subi %sign3A_39, %sign3A_42 : i32
    %sign3A_44 = arith.constant 0 : i32
    %sign3A_45 = arith.cmpi sgt, %jit3A, %sign3A_44 : i32
    %sign3A_46 = arith.extui %sign3A_45 : i1 to i32
    %sign3A_47 = arith.constant 0 : i32
    %sign3A_48 = arith.cmpi slt, %jit3A, %sign3A_47 : i32
    %sign3A_49 = arith.extui %sign3A_48 : i1 to i32
    %sign3A_50 = arith.subi %sign3A_46, %sign3A_49 : i32
    %ne3A = arith.cmpi ne, %sign3A_43, %sign3A_50 : i32
    %rem3A = arith.remsi %sub3A_37, %jit3A : i32
    %ne3A_51 = arith.constant 0 : i32
    %ne3A_52 = arith.cmpi ne, %rem3A, %ne3A_51 : i32
    %and3A = arith.andi %ne3A, %ne3A_52 : i1
    %sub3A_53 = arith.constant 1 : i32
    %sub3A_54 = arith.subi %div3A, %sub3A_53 : i32
    %select_n3A = arith.select %and3A, %sub3A_54, %div3A : i32
    %while3A = arith.constant 0 : i32
    %while3A_55 = arith.constant 0 : i32
    %while3A_56 = arith.subi %select_n3A, %while3A : i32
    %while3A_57 = arith.addi %while3A, %while3A_56 : i32
    %while3A_58 = arith.constant 1 : i32
    %while3A_59 = arith.divsi %while3A_56, %while3A_58 : i32
    %while3A_60 = arith.muli %while3A_59, %while3A_58 : i32
    %while3A_61 = arith.addi %while3A, %while3A_60 : i32
    %while3A_62 = arith.constant 1 : i32
    %while3A_63 = scf.for %while3A_76 = %while3A to %while3A_61 step %while3A_62 iter_args(%while3A_77 = %while3A_55) -> (i32)  : i32 {
      %mul3A_78 = arith.constant 8192 : i32
      %mul3A_79 = arith.muli %while3A_76, %mul3A_78 : i32
      %add3A_80 = arith.addi %mul3A_30, %mul3A_79 : i32
      %min3A = arith.constant 14147584 : i32
      %min3A_81 = arith.minsi %add3A_80, %min3A : i32
      %multiple_of3A = tpu.assume_multiple %min3A_81, 8 : i32
      "tpu.region"() ({
        %run_scoped3A = tpu.sem_alloc : memref<!tpu.dma_semaphore, #tpu.memory_space<semaphore_mem>>
        %dma_start3A = tpu.memref_slice %arg2[%multiple_of3A] : memref<14155792xi32, #tpu.memory_space<hbm>> -> memref<8208xi32, #tpu.memory_space<hbm>>
        %dma_start3A_95 = tpu.memref_slice %arg2[%multiple_of3A] : memref<14155792xi32, #tpu.memory_space<hbm>> -> memref<8208xi32, #tpu.memory_space<hbm>>
        tpu.enqueue_dma source(%dma_start3A_95 : memref<8208xi32, #tpu.memory_space<hbm>>) target(%arg5 : memref<8208xi32, #tpu.memory_space<vmem>>) target_semaphore(%run_scoped3A : memref<!tpu.dma_semaphore, #tpu.memory_space<semaphore_mem>>)
        %dma_wait3A = tpu.memref_slice %arg2[%multiple_of3A] : memref<14155792xi32, #tpu.memory_space<hbm>> -> memref<8208xi32, #tpu.memory_space<hbm>>
        %dma_wait3A_96 = tpu.memref_slice %arg2[%multiple_of3A] : memref<14155792xi32, #tpu.memory_space<hbm>> -> memref<8208xi32, #tpu.memory_space<hbm>>
        tpu.wait_dma2 semaphore(%run_scoped3A : memref<!tpu.dma_semaphore, #tpu.memory_space<semaphore_mem>>) src(%dma_wait3A_96 : memref<8208xi32, #tpu.memory_space<hbm>>) dst(%arg5 : memref<8208xi32, #tpu.memory_space<vmem>>)
        tpu.yield
      }) : () -> ()
      "tpu.region"() ({
        %run_scoped3A = tpu.sem_alloc : memref<!tpu.dma_semaphore, #tpu.memory_space<semaphore_mem>>
        %dma_start3A = tpu.memref_slice %arg3[%multiple_of3A] : memref<14155776xf32, #tpu.memory_space<hbm>> -> memref<8192xf32, #tpu.memory_space<hbm>>
        %dma_start3A_95 = tpu.memref_slice %arg3[%multiple_of3A] : memref<14155776xf32, #tpu.memory_space<hbm>> -> memref<8192xf32, #tpu.memory_space<hbm>>
        tpu.enqueue_dma source(%dma_start3A_95 : memref<8192xf32, #tpu.memory_space<hbm>>) target(%arg6 : memref<8192xf32, #tpu.memory_space<vmem>>) target_semaphore(%run_scoped3A : memref<!tpu.dma_semaphore, #tpu.memory_space<semaphore_mem>>)
        %dma_wait3A = tpu.memref_slice %arg3[%multiple_of3A] : memref<14155776xf32, #tpu.memory_space<hbm>> -> memref<8192xf32, #tpu.memory_space<hbm>>
        %dma_wait3A_96 = tpu.memref_slice %arg3[%multiple_of3A] : memref<14155776xf32, #tpu.memory_space<hbm>> -> memref<8192xf32, #tpu.memory_space<hbm>>
        tpu.wait_dma2 semaphore(%run_scoped3A : memref<!tpu.dma_semaphore, #tpu.memory_space<semaphore_mem>>) src(%dma_wait3A_96 : memref<8192xf32, #tpu.memory_space<hbm>>) dst(%arg6 : memref<8192xf32, #tpu.memory_space<vmem>>)
        tpu.yield
      }) : () -> ()
      %get3A = arith.constant 8176 : index
      %get3A_82 = tpu.vector_load %arg5[%get3A] {strides = array<i32>} : memref<8208xi32, #tpu.memory_space<vmem>>, vector<16xi32>,
      %slice3A = vector.extract_strided_slice %get3A_82 {offsets = [15], sizes = [1], strides = [1]} : vector<16xi32> to vector<1xi32>
      %squeeze3A = vector.extract %slice3A[0] : i32 from vector<1xi32>
      %while3A_83 = scf.while (%while3A_95 = %while3A_77) : (i32) -> i32 {
        %lt3A = arith.constant 27 : i32
        %lt3A_96 = arith.cmpi slt, %while3A_95, %lt3A : i32
        %add3A_97 = arith.constant 1 : i32
        %add3A_98 = arith.addi %while3A_95, %add3A_97 : i32
        %mul3A_99 = arith.constant 65536 : i32
        %mul3A_100 = arith.muli %add3A_98, %mul3A_99 : i32
        %add3A_101 = arith.addi %mul3A_2, %mul3A_100 : i32
        %ge3A = arith.cmpi sge, %squeeze3A, %add3A_101 : i32
        %and3A_102 = arith.andi %lt3A_96, %ge3A : i1
        scf.condition(%and3A_102) %while3A_95 : i32
      } do {
      ^bb0(%while3A_95: i32):
        %mul3A_96 = arith.constant 65536 : i32
        %mul3A_97 = arith.muli %while3A_95, %mul3A_96 : i32
        %add3A_98 = arith.addi %mul3A_2, %mul3A_97 : i32
        %add3A_99 = arith.constant 65536 : i32
        %add3A_100 = arith.addi %add3A_98, %add3A_99 : i32
        %scan3A_101 = arith.constant 0 : i32
        %scan3A_102 = arith.constant 0 : i32
        %scan3A_103 = arith.constant 512 : i32
        %scan3A_104 = arith.addi %scan3A_102, %scan3A_103 : i32
        %scan3A_105 = arith.constant 1 : i32
        scf.for %scan3A_119 = %scan3A_102 to %scan3A_104 step %scan3A_105  : i32 {
          %mul3A_120 = arith.constant 16 : i32
          %mul3A_121 = arith.muli %scan3A_119, %mul3A_120 : i32
          %get3A_122 = arith.index_cast %mul3A_121 : i32 to index
          %get3A_123 = tpu.vector_load %arg5[%get3A_122] {strides = array<i32>} : memref<8208xi32, #tpu.memory_space<vmem>>, vector<16xi32>,
          %mul3A_124 = arith.constant 16 : i32
          %mul3A_125 = arith.muli %scan3A_119, %mul3A_124 : i32
          %add3A_126 = arith.constant 1 : i32
          %add3A_127 = arith.addi %mul3A_125, %add3A_126 : i32
          %get3A_128 = arith.index_cast %add3A_127 : i32 to index
          %get3A_129 = tpu.vector_load %arg5[%get3A_128] {strides = array<i32>} : memref<8208xi32, #tpu.memory_space<vmem>>, vector<16xi32>,
          %mul3A_130 = arith.constant 16 : i32
          %mul3A_131 = arith.muli %scan3A_119, %mul3A_130 : i32
          %get3A_132 = arith.index_cast %mul3A_131 : i32 to index
          %get3A_133 = tpu.vector_load %arg6[%get3A_132] {strides = array<i32>} : memref<8192xf32, #tpu.memory_space<vmem>>, vector<16xf32>,
          %ne3A_134 = arith.cmpi ne, %get3A_123, %get3A_129 : vector<16xi32>
          %ge3A = vector.broadcast %add3A_98 : i32 to vector<16xi32>
          %ge3A_135 = arith.cmpi sge, %get3A_123, %ge3A : vector<16xi32>
          %and3A_136 = arith.andi %ne3A_134, %ge3A_135 : vector<16xi1>
          %lt3A = vector.broadcast %add3A_100 : i32 to vector<16xi32>
          %lt3A_137 = arith.cmpi slt, %get3A_123, %lt3A : vector<16xi32>
          %and3A_138 = arith.andi %and3A_136, %lt3A_137 : vector<16xi1>
          %sub3A_139 = vector.broadcast %add3A_98 : i32 to vector<16xi32>
          %sub3A_140 = arith.subi %get3A_123, %sub3A_139 : vector<16xi32>
          tpu.vector_store_idx %arg7[%sub3A_140], %get3A_133 masked %and3A_138 : memref<65536xf32, #tpu.memory_space<vmem>>[vector<16xi32>], vector<16xf32>, vector<16xi1>
        }
        %scan3A_106 = arith.constant 512 : i32
        %mul3A_107 = arith.constant 65536 : i32
        %mul3A_108 = arith.muli %while3A_95, %mul3A_107 : i32
        %add3A_109 = arith.addi %mul3A_2, %mul3A_108 : i32
        %multiple_of3A_110 = tpu.assume_multiple %add3A_109, 8 : i32
        "tpu.region"() ({
          %run_scoped3A = tpu.sem_alloc : memref<!tpu.dma_semaphore, #tpu.memory_space<semaphore_mem>>
          %dma_start3A = tpu.memref_slice %arg4[%multiple_of3A_110] : memref<56623104xf32, #tpu.memory_space<hbm>> -> memref<65536xf32, #tpu.memory_space<hbm>>
          %dma_start3A_119 = tpu.memref_slice %arg4[%multiple_of3A_110] : memref<56623104xf32, #tpu.memory_space<hbm>> -> memref<65536xf32, #tpu.memory_space<hbm>>
          tpu.enqueue_dma source(%arg7 : memref<65536xf32, #tpu.memory_space<vmem>>) target(%dma_start3A_119 : memref<65536xf32, #tpu.memory_space<hbm>>) target_semaphore(%run_scoped3A : memref<!tpu.dma_semaphore, #tpu.memory_space<semaphore_mem>>)
          %dma_wait3A = tpu.memref_slice %arg4[%multiple_of3A_110] : memref<56623104xf32, #tpu.memory_space<hbm>> -> memref<65536xf32, #tpu.memory_space<hbm>>
          %dma_wait3A_120 = tpu.memref_slice %arg4[%multiple_of3A_110] : memref<56623104xf32, #tpu.memory_space<hbm>> -> memref<65536xf32, #tpu.memory_space<hbm>>
          tpu.wait_dma2 semaphore(%run_scoped3A : memref<!tpu.dma_semaphore, #tpu.memory_space<semaphore_mem>>) src(%arg7 : memref<65536xf32, #tpu.memory_space<vmem>>) dst(%dma_wait3A_120 : memref<65536xf32, #tpu.memory_space<hbm>>)
          tpu.yield
        }) : () -> ()
        %scan3A_111 = arith.constant 0 : i32
        %scan3A_112 = arith.constant 0 : i32
        %scan3A_113 = arith.constant 4096 : i32
        %scan3A_114 = arith.addi %scan3A_112, %scan3A_113 : i32
        %scan3A_115 = arith.constant 1 : i32
        scf.for %scan3A_119 = %scan3A_112 to %scan3A_114 step %scan3A_115  : i32 {
          %mul3A_120 = arith.constant 16 : i32
          %mul3A_121 = arith.muli %scan3A_119, %mul3A_120 : i32
          %swap3A = arith.index_cast %mul3A_121 : i32 to index
          %swap3A_122 = tpu.vector_load %arg7[%swap3A] {strides = array<i32>} : memref<65536xf32, #tpu.memory_space<vmem>>, vector<16xf32>,
          tpu.vector_store %arg7[%swap3A], %broadcast_in_dim3A_5 {strides = array<i32>} : memref<65536xf32, #tpu.memory_space<vmem>>, vector<16xf32>,
        }
        %scan3A_116 = arith.constant 4096 : i32
        %add3A_117 = arith.constant 1 : i32
        %add3A_118 = arith.addi %while3A_95, %add3A_117 : i32
        scf.yield %add3A_118 : i32
      }
      %mul3A_84 = arith.constant 65536 : i32
      %mul3A_85 = arith.muli %while3A_83, %mul3A_84 : i32
      %add3A_86 = arith.addi %mul3A_2, %mul3A_85 : i32
      %add3A_87 = arith.constant 65536 : i32
      %add3A_88 = arith.addi %add3A_86, %add3A_87 : i32
      %scan3A_89 = arith.constant 0 : i32
      %scan3A_90 = arith.constant 0 : i32
      %scan3A_91 = arith.constant 512 : i32
      %scan3A_92 = arith.addi %scan3A_90, %scan3A_91 : i32
      %scan3A_93 = arith.constant 1 : i32
      scf.for %scan3A_95 = %scan3A_90 to %scan3A_92 step %scan3A_93  : i32 {
        %mul3A_96 = arith.constant 16 : i32
        %mul3A_97 = arith.muli %scan3A_95, %mul3A_96 : i32
        %get3A_98 = arith.index_cast %mul3A_97 : i32 to index
        %get3A_99 = tpu.vector_load %arg5[%get3A_98] {strides = array<i32>} : memref<8208xi32, #tpu.memory_space<vmem>>, vector<16xi32>,
        %mul3A_100 = arith.constant 16 : i32
        %mul3A_101 = arith.muli %scan3A_95, %mul3A_100 : i32
        %add3A_102 = arith.constant 1 : i32
        %add3A_103 = arith.addi %mul3A_101, %add3A_102 : i32
        %get3A_104 = arith.index_cast %add3A_103 : i32 to index
        %get3A_105 = tpu.vector_load %arg5[%get3A_104] {strides = array<i32>} : memref<8208xi32, #tpu.memory_space<vmem>>, vector<16xi32>,
        %mul3A_106 = arith.constant 16 : i32
        %mul3A_107 = arith.muli %scan3A_95, %mul3A_106 : i32
        %get3A_108 = arith.index_cast %mul3A_107 : i32 to index
        %get3A_109 = tpu.vector_load %arg6[%get3A_108] {strides = array<i32>} : memref<8192xf32, #tpu.memory_space<vmem>>, vector<16xf32>,
        %ne3A_110 = arith.cmpi ne, %get3A_99, %get3A_105 : vector<16xi32>
        %ge3A = vector.broadcast %add3A_86 : i32 to vector<16xi32>
        %ge3A_111 = arith.cmpi sge, %get3A_99, %ge3A : vector<16xi32>
        %and3A_112 = arith.andi %ne3A_110, %ge3A_111 : vector<16xi1>
        %lt3A = vector.broadcast %add3A_88 : i32 to vector<16xi32>
        %lt3A_113 = arith.cmpi slt, %get3A_99, %lt3A : vector<16xi32>
        %and3A_114 = arith.andi %and3A_112, %lt3A_113 : vector<16xi1>
        %sub3A_115 = vector.broadcast %add3A_86 : i32 to vector<16xi32>
        %sub3A_116 = arith.subi %get3A_99, %sub3A_115 : vector<16xi32>
        tpu.vector_store_idx %arg7[%sub3A_116], %get3A_109 masked %and3A_114 : memref<65536xf32, #tpu.memory_space<vmem>>[vector<16xi32>], vector<16xf32>, vector<16xi1>
      }
      %scan3A_94 = arith.constant 512 : i32
      scf.yield %while3A_83 : i32
    }
    %while3A_64 = arith.constant 1 : i32
    %while3A_65 = scf.for %while3A_76 = %while3A_61 to %while3A_57 step %while3A_64 iter_args(%while3A_77 = %while3A_63) -> (i32)  : i32 {
      %mul3A_78 = arith.constant 8192 : i32
      %mul3A_79 = arith.muli %while3A_76, %mul3A_78 : i32
      %add3A_80 = arith.addi %mul3A_30, %mul3A_79 : i32
      %min3A = arith.constant 14147584 : i32
      %min3A_81 = arith.minsi %add3A_80, %min3A : i32
      %multiple_of3A = tpu.assume_multiple %min3A_81, 8 : i32
      "tpu.region"() ({
        %run_scoped3A = tpu.sem_alloc : memref<!tpu.dma_semaphore, #tpu.memory_space<semaphore_mem>>
        %dma_start3A = tpu.memref_slice %arg2[%multiple_of3A] : memref<14155792xi32, #tpu.memory_space<hbm>> -> memref<8208xi32, #tpu.memory_space<hbm>>
        %dma_start3A_95 = tpu.memref_slice %arg2[%multiple_of3A] : memref<14155792xi32, #tpu.memory_space<hbm>> -> memref<8208xi32, #tpu.memory_space<hbm>>
        tpu.enqueue_dma source(%dma_start3A_95 : memref<8208xi32, #tpu.memory_space<hbm>>) target(%arg5 : memref<8208xi32, #tpu.memory_space<vmem>>) target_semaphore(%run_scoped3A : memref<!tpu.dma_semaphore, #tpu.memory_space<semaphore_mem>>)
        %dma_wait3A = tpu.memref_slice %arg2[%multiple_of3A] : memref<14155792xi32, #tpu.memory_space<hbm>> -> memref<8208xi32, #tpu.memory_space<hbm>>
        %dma_wait3A_96 = tpu.memref_slice %arg2[%multiple_of3A] : memref<14155792xi32, #tpu.memory_space<hbm>> -> memref<8208xi32, #tpu.memory_space<hbm>>
        tpu.wait_dma2 semaphore(%run_scoped3A : memref<!tpu.dma_semaphore, #tpu.memory_space<semaphore_mem>>) src(%dma_wait3A_96 : memref<8208xi32, #tpu.memory_space<hbm>>) dst(%arg5 : memref<8208xi32, #tpu.memory_space<vmem>>)
        tpu.yield
      }) : () -> ()
      "tpu.region"() ({
        %run_scoped3A = tpu.sem_alloc : memref<!tpu.dma_semaphore, #tpu.memory_space<semaphore_mem>>
        %dma_start3A = tpu.memref_slice %arg3[%multiple_of3A] : memref<14155776xf32, #tpu.memory_space<hbm>> -> memref<8192xf32, #tpu.memory_space<hbm>>
        %dma_start3A_95 = tpu.memref_slice %arg3[%multiple_of3A] : memref<14155776xf32, #tpu.memory_space<hbm>> -> memref<8192xf32, #tpu.memory_space<hbm>>
        tpu.enqueue_dma source(%dma_start3A_95 : memref<8192xf32, #tpu.memory_space<hbm>>) target(%arg6 : memref<8192xf32, #tpu.memory_space<vmem>>) target_semaphore(%run_scoped3A : memref<!tpu.dma_semaphore, #tpu.memory_space<semaphore_mem>>)
        %dma_wait3A = tpu.memref_slice %arg3[%multiple_of3A] : memref<14155776xf32, #tpu.memory_space<hbm>> -> memref<8192xf32, #tpu.memory_space<hbm>>
        %dma_wait3A_96 = tpu.memref_slice %arg3[%multiple_of3A] : memref<14155776xf32, #tpu.memory_space<hbm>> -> memref<8192xf32, #tpu.memory_space<hbm>>
        tpu.wait_dma2 semaphore(%run_scoped3A : memref<!tpu.dma_semaphore, #tpu.memory_space<semaphore_mem>>) src(%dma_wait3A_96 : memref<8192xf32, #tpu.memory_space<hbm>>) dst(%arg6 : memref<8192xf32, #tpu.memory_space<vmem>>)
        tpu.yield
      }) : () -> ()
      %get3A = arith.constant 8176 : index
      %get3A_82 = tpu.vector_load %arg5[%get3A] {strides = array<i32>} : memref<8208xi32, #tpu.memory_space<vmem>>, vector<16xi32>,
      %slice3A = vector.extract_strided_slice %get3A_82 {offsets = [15], sizes = [1], strides = [1]} : vector<16xi32> to vector<1xi32>
      %squeeze3A = vector.extract %slice3A[0] : i32 from vector<1xi32>
      %while3A_83 = scf.while (%while3A_95 = %while3A_77) : (i32) -> i32 {
        %lt3A = arith.constant 27 : i32
        %lt3A_96 = arith.cmpi slt, %while3A_95, %lt3A : i32
        %add3A_97 = arith.constant 1 : i32
        %add3A_98 = arith.addi %while3A_95, %add3A_97 : i32
        %mul3A_99 = arith.constant 65536 : i32
        %mul3A_100 = arith.muli %add3A_98, %mul3A_99 : i32
        %add3A_101 = arith.addi %mul3A_2, %mul3A_100 : i32
        %ge3A = arith.cmpi sge, %squeeze3A, %add3A_101 : i32
        %and3A_102 = arith.andi %lt3A_96, %ge3A : i1
        scf.condition(%and3A_102) %while3A_95 : i32
      } do {
      ^bb0(%while3A_95: i32):
        %mul3A_96 = arith.constant 65536 : i32
        %mul3A_97 = arith.muli %while3A_95, %mul3A_96 : i32
        %add3A_98 = arith.addi %mul3A_2, %mul3A_97 : i32
        %add3A_99 = arith.constant 65536 : i32
        %add3A_100 = arith.addi %add3A_98, %add3A_99 : i32
        %scan3A_101 = arith.constant 0 : i32
        %scan3A_102 = arith.constant 0 : i32
        %scan3A_103 = arith.constant 512 : i32
        %scan3A_104 = arith.addi %scan3A_102, %scan3A_103 : i32
        %scan3A_105 = arith.constant 1 : i32
        scf.for %scan3A_119 = %scan3A_102 to %scan3A_104 step %scan3A_105  : i32 {
          %mul3A_120 = arith.constant 16 : i32
          %mul3A_121 = arith.muli %scan3A_119, %mul3A_120 : i32
          %get3A_122 = arith.index_cast %mul3A_121 : i32 to index
          %get3A_123 = tpu.vector_load %arg5[%get3A_122] {strides = array<i32>} : memref<8208xi32, #tpu.memory_space<vmem>>, vector<16xi32>,
          %mul3A_124 = arith.constant 16 : i32
          %mul3A_125 = arith.muli %scan3A_119, %mul3A_124 : i32
          %add3A_126 = arith.constant 1 : i32
          %add3A_127 = arith.addi %mul3A_125, %add3A_126 : i32
          %get3A_128 = arith.index_cast %add3A_127 : i32 to index
          %get3A_129 = tpu.vector_load %arg5[%get3A_128] {strides = array<i32>} : memref<8208xi32, #tpu.memory_space<vmem>>, vector<16xi32>,
          %mul3A_130 = arith.constant 16 : i32
          %mul3A_131 = arith.muli %scan3A_119, %mul3A_130 : i32
          %get3A_132 = arith.index_cast %mul3A_131 : i32 to index
          %get3A_133 = tpu.vector_load %arg6[%get3A_132] {strides = array<i32>} : memref<8192xf32, #tpu.memory_space<vmem>>, vector<16xf32>,
          %ne3A_134 = arith.cmpi ne, %get3A_123, %get3A_129 : vector<16xi32>
          %ge3A = vector.broadcast %add3A_98 : i32 to vector<16xi32>
          %ge3A_135 = arith.cmpi sge, %get3A_123, %ge3A : vector<16xi32>
          %and3A_136 = arith.andi %ne3A_134, %ge3A_135 : vector<16xi1>
          %lt3A = vector.broadcast %add3A_100 : i32 to vector<16xi32>
          %lt3A_137 = arith.cmpi slt, %get3A_123, %lt3A : vector<16xi32>
          %and3A_138 = arith.andi %and3A_136, %lt3A_137 : vector<16xi1>
          %sub3A_139 = vector.broadcast %add3A_98 : i32 to vector<16xi32>
          %sub3A_140 = arith.subi %get3A_123, %sub3A_139 : vector<16xi32>
          tpu.vector_store_idx %arg7[%sub3A_140], %get3A_133 masked %and3A_138 : memref<65536xf32, #tpu.memory_space<vmem>>[vector<16xi32>], vector<16xf32>, vector<16xi1>
        }
        %scan3A_106 = arith.constant 512 : i32
        %mul3A_107 = arith.constant 65536 : i32
        %mul3A_108 = arith.muli %while3A_95, %mul3A_107 : i32
        %add3A_109 = arith.addi %mul3A_2, %mul3A_108 : i32
        %multiple_of3A_110 = tpu.assume_multiple %add3A_109, 8 : i32
        "tpu.region"() ({
          %run_scoped3A = tpu.sem_alloc : memref<!tpu.dma_semaphore, #tpu.memory_space<semaphore_mem>>
          %dma_start3A = tpu.memref_slice %arg4[%multiple_of3A_110] : memref<56623104xf32, #tpu.memory_space<hbm>> -> memref<65536xf32, #tpu.memory_space<hbm>>
          %dma_start3A_119 = tpu.memref_slice %arg4[%multiple_of3A_110] : memref<56623104xf32, #tpu.memory_space<hbm>> -> memref<65536xf32, #tpu.memory_space<hbm>>
          tpu.enqueue_dma source(%arg7 : memref<65536xf32, #tpu.memory_space<vmem>>) target(%dma_start3A_119 : memref<65536xf32, #tpu.memory_space<hbm>>) target_semaphore(%run_scoped3A : memref<!tpu.dma_semaphore, #tpu.memory_space<semaphore_mem>>)
          %dma_wait3A = tpu.memref_slice %arg4[%multiple_of3A_110] : memref<56623104xf32, #tpu.memory_space<hbm>> -> memref<65536xf32, #tpu.memory_space<hbm>>
          %dma_wait3A_120 = tpu.memref_slice %arg4[%multiple_of3A_110] : memref<56623104xf32, #tpu.memory_space<hbm>> -> memref<65536xf32, #tpu.memory_space<hbm>>
          tpu.wait_dma2 semaphore(%run_scoped3A : memref<!tpu.dma_semaphore, #tpu.memory_space<semaphore_mem>>) src(%arg7 : memref<65536xf32, #tpu.memory_space<vmem>>) dst(%dma_wait3A_120 : memref<65536xf32, #tpu.memory_space<hbm>>)
          tpu.yield
        }) : () -> ()
        %scan3A_111 = arith.constant 0 : i32
        %scan3A_112 = arith.constant 0 : i32
        %scan3A_113 = arith.constant 4096 : i32
        %scan3A_114 = arith.addi %scan3A_112, %scan3A_113 : i32
        %scan3A_115 = arith.constant 1 : i32
        scf.for %scan3A_119 = %scan3A_112 to %scan3A_114 step %scan3A_115  : i32 {
          %mul3A_120 = arith.constant 16 : i32
          %mul3A_121 = arith.muli %scan3A_119, %mul3A_120 : i32
          %swap3A = arith.index_cast %mul3A_121 : i32 to index
          %swap3A_122 = tpu.vector_load %arg7[%swap3A] {strides = array<i32>} : memref<65536xf32, #tpu.memory_space<vmem>>, vector<16xf32>,
          tpu.vector_store %arg7[%swap3A], %broadcast_in_dim3A_5 {strides = array<i32>} : memref<65536xf32, #tpu.memory_space<vmem>>, vector<16xf32>,
        }
        %scan3A_116 = arith.constant 4096 : i32
        %add3A_117 = arith.constant 1 : i32
        %add3A_118 = arith.addi %while3A_95, %add3A_117 : i32
        scf.yield %add3A_118 : i32
      }
      %mul3A_84 = arith.constant 65536 : i32
      %mul3A_85 = arith.muli %while3A_83, %mul3A_84 : i32
      %add3A_86 = arith.addi %mul3A_2, %mul3A_85 : i32
      %add3A_87 = arith.constant 65536 : i32
      %add3A_88 = arith.addi %add3A_86, %add3A_87 : i32
      %scan3A_89 = arith.constant 0 : i32
      %scan3A_90 = arith.constant 0 : i32
      %scan3A_91 = arith.constant 512 : i32
      %scan3A_92 = arith.addi %scan3A_90, %scan3A_91 : i32
      %scan3A_93 = arith.constant 1 : i32
      scf.for %scan3A_95 = %scan3A_90 to %scan3A_92 step %scan3A_93  : i32 {
        %mul3A_96 = arith.constant 16 : i32
        %mul3A_97 = arith.muli %scan3A_95, %mul3A_96 : i32
        %get3A_98 = arith.index_cast %mul3A_97 : i32 to index
        %get3A_99 = tpu.vector_load %arg5[%get3A_98] {strides = array<i32>} : memref<8208xi32, #tpu.memory_space<vmem>>, vector<16xi32>,
        %mul3A_100 = arith.constant 16 : i32
        %mul3A_101 = arith.muli %scan3A_95, %mul3A_100 : i32
        %add3A_102 = arith.constant 1 : i32
        %add3A_103 = arith.addi %mul3A_101, %add3A_102 : i32
        %get3A_104 = arith.index_cast %add3A_103 : i32 to index
        %get3A_105 = tpu.vector_load %arg5[%get3A_104] {strides = array<i32>} : memref<8208xi32, #tpu.memory_space<vmem>>, vector<16xi32>,
        %mul3A_106 = arith.constant 16 : i32
        %mul3A_107 = arith.muli %scan3A_95, %mul3A_106 : i32
        %get3A_108 = arith.index_cast %mul3A_107 : i32 to index
        %get3A_109 = tpu.vector_load %arg6[%get3A_108] {strides = array<i32>} : memref<8192xf32, #tpu.memory_space<vmem>>, vector<16xf32>,
        %ne3A_110 = arith.cmpi ne, %get3A_99, %get3A_105 : vector<16xi32>
        %ge3A = vector.broadcast %add3A_86 : i32 to vector<16xi32>
        %ge3A_111 = arith.cmpi sge, %get3A_99, %ge3A : vector<16xi32>
        %and3A_112 = arith.andi %ne3A_110, %ge3A_111 : vector<16xi1>
        %lt3A = vector.broadcast %add3A_88 : i32 to vector<16xi32>
        %lt3A_113 = arith.cmpi slt, %get3A_99, %lt3A : vector<16xi32>
        %and3A_114 = arith.andi %and3A_112, %lt3A_113 : vector<16xi1>
        %sub3A_115 = vector.broadcast %add3A_86 : i32 to vector<16xi32>
        %sub3A_116 = arith.subi %get3A_99, %sub3A_115 : vector<16xi32>
        tpu.vector_store_idx %arg7[%sub3A_116], %get3A_109 masked %and3A_114 : memref<65536xf32, #tpu.memory_space<vmem>>[vector<16xi32>], vector<16xf32>, vector<16xi1>
      }
      %scan3A_94 = arith.constant 512 : i32
      scf.yield %while3A_83 : i32
    }
    %while3A_66 = arith.constant 0 : i32
    %while3A_67 = arith.constant 27 : i32
    %while3A_68 = arith.subi %while3A_67, %while3A_65 : i32
    %while3A_69 = arith.addi %while3A_65, %while3A_68 : i32
    %while3A_70 = arith.constant 1 : i32
    %while3A_71 = arith.divsi %while3A_68, %while3A_70 : i32
    %while3A_72 = arith.muli %while3A_71, %while3A_70 : i32
    %while3A_73 = arith.addi %while3A_65, %while3A_72 : i32
    %while3A_74 = arith.constant 1 : i32
    scf.for %while3A_76 = %while3A_65 to %while3A_73 step %while3A_74  : i32 {
      %mul3A_77 = arith.constant 65536 : i32
      %mul3A_78 = arith.muli %while3A_76, %mul3A_77 : i32
      %add3A_79 = arith.addi %mul3A_2, %mul3A_78 : i32
      %multiple_of3A = tpu.assume_multiple %add3A_79, 8 : i32
      "tpu.region"() ({
        %run_scoped3A = tpu.sem_alloc : memref<!tpu.dma_semaphore, #tpu.memory_space<semaphore_mem>>
        %dma_start3A = tpu.memref_slice %arg4[%multiple_of3A] : memref<56623104xf32, #tpu.memory_space<hbm>> -> memref<65536xf32, #tpu.memory_space<hbm>>
        %dma_start3A_86 = tpu.memref_slice %arg4[%multiple_of3A] : memref<56623104xf32, #tpu.memory_space<hbm>> -> memref<65536xf32, #tpu.memory_space<hbm>>
        tpu.enqueue_dma source(%arg7 : memref<65536xf32, #tpu.memory_space<vmem>>) target(%dma_start3A_86 : memref<65536xf32, #tpu.memory_space<hbm>>) target_semaphore(%run_scoped3A : memref<!tpu.dma_semaphore, #tpu.memory_space<semaphore_mem>>)
        %dma_wait3A = tpu.memref_slice %arg4[%multiple_of3A] : memref<56623104xf32, #tpu.memory_space<hbm>> -> memref<65536xf32, #tpu.memory_space<hbm>>
        %dma_wait3A_87 = tpu.memref_slice %arg4[%multiple_of3A] : memref<56623104xf32, #tpu.memory_space<hbm>> -> memref<65536xf32, #tpu.memory_space<hbm>>
        tpu.wait_dma2 semaphore(%run_scoped3A : memref<!tpu.dma_semaphore, #tpu.memory_space<semaphore_mem>>) src(%arg7 : memref<65536xf32, #tpu.memory_space<vmem>>) dst(%dma_wait3A_87 : memref<65536xf32, #tpu.memory_space<hbm>>)
        tpu.yield
      }) : () -> ()
      %scan3A_80 = arith.constant 0 : i32
      %scan3A_81 = arith.constant 0 : i32
      %scan3A_82 = arith.constant 4096 : i32
      %scan3A_83 = arith.addi %scan3A_81, %scan3A_82 : i32
      %scan3A_84 = arith.constant 1 : i32
      scf.for %scan3A_86 = %scan3A_81 to %scan3A_83 step %scan3A_84  : i32 {
        %mul3A_87 = arith.constant 16 : i32
        %mul3A_88 = arith.muli %scan3A_86, %mul3A_87 : i32
        %swap3A = arith.index_cast %mul3A_88 : i32 to index
        %swap3A_89 = tpu.vector_load %arg7[%swap3A] {strides = array<i32>} : memref<65536xf32, #tpu.memory_space<vmem>>, vector<16xf32>,
        tpu.vector_store %arg7[%swap3A], %broadcast_in_dim3A_5 {strides = array<i32>} : memref<65536xf32, #tpu.memory_space<vmem>>, vector<16xf32>,
      }
      %scan3A_85 = arith.constant 4096 : i32
    }
    %while3A_75 = arith.constant 1 : i32
    scf.for %while3A_76 = %while3A_73 to %while3A_69 step %while3A_75  : i32 {
      %mul3A_77 = arith.constant 65536 : i32
      %mul3A_78 = arith.muli %while3A_76, %mul3A_77 : i32
      %add3A_79 = arith.addi %mul3A_2, %mul3A_78 : i32
      %multiple_of3A = tpu.assume_multiple %add3A_79, 8 : i32
      "tpu.region"() ({
        %run_scoped3A = tpu.sem_alloc : memref<!tpu.dma_semaphore, #tpu.memory_space<semaphore_mem>>
        %dma_start3A = tpu.memref_slice %arg4[%multiple_of3A] : memref<56623104xf32, #tpu.memory_space<hbm>> -> memref<65536xf32, #tpu.memory_space<hbm>>
        %dma_start3A_86 = tpu.memref_slice %arg4[%multiple_of3A] : memref<56623104xf32, #tpu.memory_space<hbm>> -> memref<65536xf32, #tpu.memory_space<hbm>>
        tpu.enqueue_dma source(%arg7 : memref<65536xf32, #tpu.memory_space<vmem>>) target(%dma_start3A_86 : memref<65536xf32, #tpu.memory_space<hbm>>) target_semaphore(%run_scoped3A : memref<!tpu.dma_semaphore, #tpu.memory_space<semaphore_mem>>)
        %dma_wait3A = tpu.memref_slice %arg4[%multiple_of3A] : memref<56623104xf32, #tpu.memory_space<hbm>> -> memref<65536xf32, #tpu.memory_space<hbm>>
        %dma_wait3A_87 = tpu.memref_slice %arg4[%multiple_of3A] : memref<56623104xf32, #tpu.memory_space<hbm>> -> memref<65536xf32, #tpu.memory_space<hbm>>
        tpu.wait_dma2 semaphore(%run_scoped3A : memref<!tpu.dma_semaphore, #tpu.memory_space<semaphore_mem>>) src(%arg7 : memref<65536xf32, #tpu.memory_space<vmem>>) dst(%dma_wait3A_87 : memref<65536xf32, #tpu.memory_space<hbm>>)
        tpu.yield
      }) : () -> ()
      %scan3A_80 = arith.constant 0 : i32
      %scan3A_81 = arith.constant 0 : i32
      %scan3A_82 = arith.constant 4096 : i32
      %scan3A_83 = arith.addi %scan3A_81, %scan3A_82 : i32
      %scan3A_84 = arith.constant 1 : i32
      scf.for %scan3A_86 = %scan3A_81 to %scan3A_83 step %scan3A_84  : i32 {
        %mul3A_87 = arith.constant 16 : i32
        %mul3A_88 = arith.muli %scan3A_86, %mul3A_87 : i32
        %swap3A = arith.index_cast %mul3A_88 : i32 to index
        %swap3A_89 = tpu.vector_load %arg7[%swap3A] {strides = array<i32>} : memref<65536xf32, #tpu.memory_space<vmem>>, vector<16xf32>,
        tpu.vector_store %arg7[%swap3A], %broadcast_in_dim3A_5 {strides = array<i32>} : memref<65536xf32, #tpu.memory_space<vmem>>, vector<16xf32>,
      }
      %scan3A_85 = arith.constant 4096 : i32
    }
    return
  }
}

</mosaic_0001>

<sc_bundles>
// kernel: _scatter.3.cloned.1.call-start
scs
__scs_entry_jumppad:
0x0: {  	(pc) =	sbr.rel $0x88, $3  }
0x1: {  	(tag) =	ssettag $0x0;
	lr =	simm.s32 $0x1  }
0x2: {  	[smem:$0x3F9F] =	sst lr;
	_ =	strace $0xD0000000  }
0x3: {  	_ = 	snop  }
0x4: {  	_ = 	snop  }
0x5: {  	_ = 	snop  }
0x6: {  	_ = 	snop  }
0x7: {  	_ = 	snop  }
__scs_overlays_trampoline_lowered:
0x8: {  	[smem:$0x3FAE] =	sst s0  }
0x9: {  	[smem:$0x3FAF] =	sst s1  }
0xa: {  	[smem:$0x3FB0] =	sst s2  }
0xb: {  	[smem:$0x3FB1] =	sst s3  }
0xc: {  	[smem:$0x3FB2] =	sst s4  }
0xd: {  	[smem:$0x3FB3] =	sst s5  }
0xe: {  	[smem:$0x3FB4] =	sst s6  }
0xf: {  	[smem:$0x3FB5] =	sst s7  }
0x10: {  	[smem:$0x3FB6] =	sst s8  }
0x11: {  	[smem:$0x3FB7] =	sst s9;
	s0 =	simm.s32 @!p0 $0x0  }
0x12: {  	s1 =	sld [smem:$0x3F9D];
	s0 =	simm.s32 @p0 $0x1  }
0x13: {  	[smem:$0x3FB8] =	sst s0;
	s0 =	simm.s32 @!p1 $0x0  }
0x14: {  	s2 =	sld [smem:$0x3F9C];
	s0 =	simm.s32 @p1 $0x1  }
0x15: {  	[smem:$0x3FB9] =	sst s0;
	s0 =	simm.s32 @!p2 $0x0  }
0x16: {  	s3 =	sld [smem:$0x3FDB];
	s0 =	simm.s32 @p2 $0x1  }
0x17: {  	s4 =	simm.s32 $0x1BF5;
	[smem:$0x3FBB] =	sst s0  }
0x18: {  	s0 =	sld [smem:$0x3F9E];
	_ =	swait.ge [sflag:s4], $0x0  }
0x19: {  	s7 =	sld [smem:$0x3F9F]  }
0x1a: {  	s8 =	sadd.s32 $0xFFFFE003, lr  }
0x1b: {  	s9 =	sadd.s32 $0xFFFFFEF7, lr;
	s5 =	simm.s32 $0xFFFFFFFF;
	p2 =	slt.u32 s8, $0xFFFFF086  }
0x1c: {  	p1 =	slt.u32 s9, $0xF7A;
	s5 =	simm.s32 @!p2 $0x0  }
0x1d: {  	s5 =	simm.s32 @p1 $0x1;
	p0 =	seq.s32 s7, s2  }
0x1e: {  	s7 =	smul.u32 @!p0 $0xF7A, s2;
	p2 =	seq.s32 @!p0 s5, $0x0  }
0x1f: {  	s9 =	smul.u32 $0xF7A, s1;
	s8 =	simm.s32 @!p0 $0x1BF5;
	p2 =	por !p2, p0  }
0x20: {  	[sflag:s8] =	ssyncset.s32 @!p0 $0xFFFFF086;
	s6 =	sadd.s32 @!p0 s3, s7;
	s7 =	simm.s32 @!p0 $0x108  }
0x21: {  	s3 =	sadd.s32 s3, s9;
	s6 =	sadd.s32 @!p0 $0x88, s6;
	s7 =	simm.s32 @p2 $0x1082  }
0x22: {  	[simem:s7], [sflag:s8] =	dma.local @!p0 [hbm:s6], $0xF7A  }
0x23: {  	s9 =	sor.u32 $0xD0000000, s2;
	s6 =	simm.s32 $0x108;
	_ =	swait.ge @!p0 [sflag:s8], $0x0  }
0x24: {  	s3 =	sadd.s32 $0x88, s3;
	s6 =	simm.s32 @!p1 $0x1082;
	[sflag:s4] =	ssyncset.s32 $0xFFFFF086  }
0x25: {  	[simem:s6], [sflag:s4] =	dma.local [hbm:s3], $0xF7A  }
0x26: {  	[smem:$0x3F9F] =	sst s1;
	(tag) =	ssettag s2;
	_ =	strace s9  }
0x27: {  	s1 =	sld [smem:$0x3FAF]  }
0x28: {  	s2 =	sld [smem:$0x3FB0]  }
0x29: {  	s4 =	sld [smem:$0x3FB2]  }
0x2a: {  	p0 =	seq.s32 s5, $0x0;
	s5 =	sld [smem:$0x3FB3]  }
0x2b: {  	s6 =	sld [smem:$0x3FB4]  }
0x2c: {  	s7 =	sld [smem:$0x3FB5]  }
0x2d: {  	s3 =	simm.s32 $0x108;
	s8 =	sld [smem:$0x3FB6]  }
0x2e: {  	s3 =	simm.s32 @!p0 $0x1082;
	s9 =	sld [smem:$0x3FB7]  }
0x2f: {  	lr =	sadd.s32 s0, s3;
	s0 =	sld [smem:$0x3FAE]  }
0x30: {  	s3 =	sld [smem:$0x3FB1]  }
0x31: {  	[smem:$0x3FBA] =	sst s10  }
0x32: {  	s10 =	sld [smem:$0x3FB8];
	_ =	sdelay $0x3  }
0x33: {  	p0 =	seq.s32 s10, $0x1;
	s10 =	sld [smem:$0x3FBA];
	_ =	sdelay $0x3  }
0x34: {  	[smem:$0x3FBA] =	sst s10  }
0x35: {  	s10 =	sld [smem:$0x3FB9];
	_ =	sdelay $0x3  }
0x36: {  	p1 =	seq.s32 s10, $0x1;
	s10 =	sld [smem:$0x3FBA];
	_ =	sdelay $0x3  }
0x37: {  	[smem:$0x3FBA] =	sst s10  }
0x38: {  	s10 =	sld [smem:$0x3FBB]  }
0x39: {  	_ = 	snop;
	(pc) =	sbr.ind lr, $3  }
0x3a: {  	_ = 	snop  }
0x3b: {  	_ = 	snop  }
0x3c: {  	p2 =	seq.s32 s10, $0x1;
	s10 =	sld [smem:$0x3FBA]  }
0x3d: {  	_ =	shalt  }
0x3e: {  	_ =	shalt  }
0x3f: {  	_ =	shalt  }
0x40: {  	_ =	shalt  }
0x41: {  	_ =	shalt  }
0x42: {  	_ =	shalt  }
0x43: {  	_ =	shalt  }
0x44: {  	_ =	shalt  }
0x45: {  	_ =	shalt  }
0x46: {  	_ =	shalt  }
0x47: {  	_ =	shalt  }
0x48: {  	_ =	shalt  }
0x49: {  	_ =	shalt  }
0x4a: {  	_ =	shalt  }
0x4b: {  	_ =	shalt  }
0x4c: {  	_ =	shalt  }
0x4d: {  	_ =	shalt  }
0x4e: {  	_ =	shalt  }
0x4f: {  	_ =	shalt  }
0x50: {  	_ =	shalt  }
0x51: {  	_ =	shalt  }
0x52: {  	_ =	shalt  }
0x53: {  	_ =	shalt  }
0x54: {  	_ =	shalt  }
0x55: {  	_ =	shalt  }
0x56: {  	_ =	shalt  }
0x57: {  	_ =	shalt  }
0x58: {  	_ =	shalt  }
0x59: {  	_ =	shalt  }
0x5a: {  	_ =	shalt  }
0x5b: {  	_ =	shalt  }
0x5c: {  	_ =	shalt  }
0x5d: {  	_ =	shalt  }
0x5e: {  	_ =	shalt  }
0x5f: {  	_ =	shalt  }
0x60: {  	_ =	shalt  }
0x61: {  	_ =	shalt  }
0x62: {  	_ =	shalt  }
0x63: {  	_ =	shalt  }
0x64: {  	_ =	shalt  }
0x65: {  	_ =	shalt  }
0x66: {  	_ =	shalt  }
0x67: {  	_ =	shalt  }
0x68: {  	_ =	shalt  }
0x69: {  	_ =	shalt  }
0x6a: {  	_ =	shalt  }
0x6b: {  	_ =	shalt  }
0x6c: {  	_ =	shalt  }
0x6d: {  	_ =	shalt  }
0x6e: {  	_ =	shalt  }
0x6f: {  	_ =	shalt  }
0x70: {  	_ =	shalt  }
0x71: {  	_ =	shalt  }
0x72: {  	_ =	shalt  }
0x73: {  	_ =	shalt  }
0x74: {  	_ =	shalt  }
0x75: {  	_ =	shalt  }
0x76: {  	_ =	shalt  }
0x77: {  	_ =	shalt  }
0x78: {  	_ =	shalt  }
0x79: {  	_ =	shalt  }
0x7a: {  	_ =	shalt  }
0x7b: {  	_ =	shalt  }
0x7c: {  	_ =	shalt  }
0x7d: {  	_ =	shalt  }
0x7e: {  	_ =	shalt  }
0x7f: {  	_ =	shalt  }
0x80: {  	_ =	shalt  }
0x81: {  	_ =	shalt  }
0x82: {  	_ =	shalt  }
0x83: {  	_ =	shalt  }
0x84: {  	_ =	shalt  }
0x85: {  	_ =	shalt  }
0x86: {  	_ =	shalt  }
0x87: {  	_ =	shalt  }
.Lfunc_end0:
.L_simem_size_0:
called_computation_lowered:
.L_overlay_start_0:
0x88: {  	s2 =	sld [smem:$0x3FD9]  }
0x89: {  	s3 =	sld [smem:$0x3FFE];
	_ =	sdelay $0x1  }
0x8a: {  	s1 =	srdreg.scid  }
0x8b: {  	s0 =	sand.u32 $0x1, s1  }
0x8c: {  	s18 =	sshll.u32 s0, $0xA;
	s2 =	sadd.s32 s3, s2  }
0x8d: {  	s2 =	sadd.s32 s2, s18  }
0x8e: {  	[smem:$0x3FC6] =	sst s2  }
0x8f: {  	_ = 	snop  }
0x90: {  	s2 =	sld [smem:$0x3FC9]  }
0x91: {  	s19 =	sld [smem:$0x3FC8]  }
0x92: {  	s4 =	sld [smem:$0x3FD0];
	(tm) =	ssettm $0x1  }
0x93: {  	s5 =	sld [smem:$0x3FFB];
	_ =	sdelay $0x3  }
0x94: {  	_ =	strace s5  }
0x95: {  	s5 =	sld [smem:$0x3FFC];
	_ =	sdelay $0x3  }
0x96: {  	_ =	strace s5  }
0x97: {  	s5 =	sld [smem:$0x3FFD];
	_ =	sdelay $0x3  }
0x98: {  	_ =	strace s5  }
0x99: {  	_ =	strace $0x8FFFFFFF  }
0x9a: {  	s20 =	sld [smem:$0x3FDB];
	_ =	sdelay $0x1  }
0x9b: {  	s6 =	simm.s32 $_scs_section_size  }
0x9c: {  	s7 =	simm.s32 $_size__tile_overlayer_lowered;
	s8 =	simm.s32 $_tile_overlayer_lowered  }
0x9d: {  	s23 =	simm.s32 $0x1BFF;
	s22 =	sshll.u32 s8, $0x1;
	s5 =	sadd.s32 s6, s20  }
0x9e: {  	s9 =	simm.s32 $0x0;
	s21 =	sshll.u32 s7, $0x1;
	s7 =	sadd.s32 s22, s5  }
0x9f: {  	[timem:s9], [sflag:s23] =	dma.local [hbm:s7], s21  }
0xa0: {  	_ =	swait.ge [sflag:s23], s21  }
0xa1: {  	s6 =	ssub.s32 $0x0, s21;
	[sflag:s23] =	ssyncset.done $0x0  }
0xa2: {  	[sflag:s23] =	ssyncadd.s32 s6;
	_ =	sdelay $0x1  }
0xa3: {  	s24 =	simm.s32 $0x1B8B  }
0xa4: {  	_ =	swait.ge [sflag:s24], $0x1  }
0xa5: {  	[sflag:s24] =	ssyncset.done $0x0  }
0xa6: {  	s25 =	simm.s32 $0x1B8E;
	[sflag:s24] =	ssyncadd.s32 $0xFFFFFFFF  }
0xa7: {  	s26 =	simm.s32 $execute0_lowered;
	[smem:$0x3FD2] =	sst s25  }
0xa8: {  	s6 =	sshll.u32 s26, $0x1;
	_ =	strace $0x80000046;
	[dreg:$0x1] =	wrdreg $0xFFFFFFFF  }
0xa9: {  	s28 =	simm.s32 $_size_execute0_lowered;
	s5 =	sadd.s32 s5, s6;
	[dreg:$0x0] =	wrdreg $0x0  }
0xaa: {  	s6 =	sshll.u32 s28, $0x1;
	[dreg:$0x2] =	wrdreg s5  }
0xab: {  	[dreg:$0x3] =	wrdreg s6  }
0xac: {  	[dreg:$0x4] =	wrdreg $0xC0  }
0xad: {  	_ =	task [dreg:s9], $0x5FFFF  }
0xae: {  	[dreg:$0x1] =	wrdreg $0xFFFFFFFF  }
0xaf: {  	[dreg:$0x0] =	wrdreg $0x60  }
0xb0: {  	[dreg:$0x2] =	wrdreg s2  }
0xb1: {  	[dreg:$0x3] =	wrdreg s19  }
0xb2: {  	[dreg:$0x4] =	wrdreg s4  }
0xb3: {  	[dreg:$0x5] =	wrdreg $0x9  }
0xb4: {  	_ =	task.clear_ibuf [dreg:s9], $0x6FFFF;
	_ =	strace $0x90000046  }
0xb5: {  	s29 =	simm.s32 $0x9;
	_ =	strace $0x80000048  }
0xb6: {  	_ =	swait.ge [sflag:s29], $0x1  }
0xb7: {  	[sflag:s29] =	ssyncadd.s32 $0xFFFFFFFF  }
0xb8: {  	_ =	strace $0x90000048  }
0xb9: {  	_ =	sfence  }
0xba: {  	s30 =	sld [smem:$0x0];
	_ =	sdelay $0x2  }
0xbb: {  	s31 =	sshll.u32 s1, $0xD;
	s1 =	sshrl.u32 s1, $0x2  }
0xbc: {  	s3 =	sand.u32 $0x4000, s31;
	s1 =	sadd.s32 s1, s30  }
0xbd: {  	s0 =	sor.u32 s3, s0;
	s1 =	sshll.u32 s1, $0x11  }
0xbe: {  	s0 =	sor.u32 s1, s0  }
0xbf: {  	s0 =	sadd.s32 $0x8F2B, s0  }
0xc0: {  	[sflag:s0] =	ssyncadd.remote.s32 $0x1  }
0xc1: {  	_ =	sfence.sel $0xFFFF  }
0xc2: {  	[dreg:$0x0] =	wrdreg $0xFFFFFFFF;
	(pc) =	sbr.abs _section_cstart, $3  }
0xc3: {  	[dreg:$0x1] =	wrdreg $0xFFFFFFFF  }
0xc4: {  	_ =	task.clear_ibuf [dreg:s9], $0x2FFFF;
	_ =	strace $0x9FFFFFFF  }
0xc5: {  	(tm) =	ssettm $0x7FFFFFFF  }
tec
execute0_lowered:
.L_overlay_start_1:
0x0: {  	(tag) =	ssettag $0x1  }
0x1: {  	s1 =	rddreg [dreg:$0x0]  }
0x2: {  	s3 =	rddreg [dreg:$0x1];
	s2 =	srdreg.scid  }
0x3: {  	s0 =	stileid.u32;
	s4 =	rddreg [dreg:$0x2];
	s9 =	simm.s32 $0x1  }
0x4: {  	s10 =	simm.s32 $0x14080;
	s11 =	simm.s32 $0x2080;
	s12 =	simm.s32 $0x4080  }
.Ltmp0:
0x5: {  	s6 =	sand.u32 $0x1, s2;
	s5 =	sshll.u32 s0, $0x1;
	(pc) =	sbr.rel .LBB2_1-.Ltmp0, $4  }
0x6: {  	s2 =	rddreg [dreg:$0x3];
	s7 =	sor.u32 s6, s5;
	s8 =	ssub.s32 $0x2, s6  }
0x7: {  	s5 =	simm.s32 $0x0;
	s6 =	smul.u32 $0x1B0000, s7;
	s31 =	sshrl.u32 s8, $0x1  }
0x8: {  	s13 =	simm.s32 $0x0;
	[smem:$0x7FF] =	sst s5;
	s8 =	ssub.s32 s8, s31  }
0x9: {  	v0 =	vimm.f32 $0.0e+00;
	_ =	strace $0x80000047;
	s7 =	sadd.s32 $0x1B0000, s6;
	s8 =	smax.u32 s8, $0x1  }
.LBB2_18:
0xa: {  	s13 =	sadd.s32 $0x1, s13  }
0xb: {  	p0 =	sne.s32 s13, s8  }
.Ltmp1:
0xc: {  	_ = 	snop;
	(pc) =	sbr.rel @!p0 .LBB2_19-.Ltmp1, $1  }
0xd: {  	_ =	sdelay $0x3  }
.LBB2_1:
0xe: {  	s16 =	simm.s32 $0x40;
	s18 =	simm.s32 $0x0;
	s14 =	simm.s32 $0xD8000  }
.LBB2_2:
0xf: {  	p0 =	sne.s32 s16, $0x3FFC0  }
0x10: {  	[tilespmem:s18+$0x4080] =	vst v0;
	s15 =	simm.s32 $0xFFFFFFFF;
	s17 =	smov.u32 s16;
	s16 =	sadd.s32 $0x40, s16  }
.Ltmp2:
0x11: {  	(pc) =	sbr.rel @p0 .LBB2_2-.Ltmp2, $2  }
0x12: {  	_ =	sdelay $0x2  }
0x13: {  	s18 =	sshra.s32 s17, $0x2  }
0x14: {  	s16 =	simm.s32 $0xD7FFF  }
0x15: {  	s16 =	sand.u32 $0x1, s16  }
0x16: {  	p0 =	por $0x0, $0x0;
	p1 =	seq.s32 s16, $0x1  }
0x17: {  	p0 =	por !p0, !p1  }
0x18: {  	s17 =	simm.s32 $0x1;
	p0 =	por !p0, !p0  }
0x19: {  	s17 =	simm.s32 @!p0 $0x0  }
0x1a: {  	s16 =	ssub.s32 $0x6BFFF, s17  }
0x1b: {  	s19 =	sshll.u32 s16, $0x1  }
0x1c: {  	s19 =	sand.u32 $0x1FFFFFFE, s19  }
0x1d: {  	[tilespmem:s18+$0x4080] =	vst v0;
	s30 =	sadd.s32 s1, s19  }
0x1e: {  	[tilespmem:s10], [sflag:$0x1] =	stream.linear.gather [hbm4b:s30+s5], $0x10, $0x38;
	[tilespmem:$0x14100] =	vst v63  }
0x1f: {  	_ =	swait.ge [sflag:s9], $0x10  }
0x20: {  	[sflag:s9] =	ssyncset.done $0x0  }
0x21: {  	[sflag:s9] =	ssyncadd.s32 $0xFFFFFFF0  }
0x22: {  	v1 =	vld [tilespmem:$0x14080];
	_ =	sdelay $0x4  }
0x23: {  	(v2sf) =	vpush v1, $0x0;
	_ =	sdelay $0xe  }
0x24: {  	s20 =	simm.s32 $0xFFFFFFFF;
	s31 =	spop (v2sf)  }
0x25: {  	s18 =	simm.s32 $0xD8000;
	s19 =	simm.s32 $0x13;
	p1 =	slt.s32 s31, s6  }
.LBB2_4:
0x26: {  	s21 =	smov.u32 s18;
	s18 =	smov.u32 s16  }
0x27: {  	p0 =	sne.s32 s19, $0x1;
	s20 =	smov.u32 @p1 s16;
	s18 =	smov.u32 @p1 s21  }
0x28: {  	s19 =	sadd.s32 $0xFFFFFFFF, s19;
	s16 =	sadd.s32 s20, s18  }
0x29: {  	s21 =	sshrl.u32 s16, $0x1F;
	s22 =	sand.u32 $0x1, s16  }
0x2a: {  	p1 =	slt.s32 s16, $0x1;
	s21 =	sadd.s32 s21, s16;
	p2 =	seq.s32 s22, $0x1  }
0x2b: {  	p1 =	por !p1, !p2  }
0x2c: {  	s16 =	sshra.s32 s21, $0x1;
	s21 =	simm.s32 $0x1;
	p1 =	por !p1, !p1  }
0x2d: {  	s21 =	simm.s32 @!p1 $0x0  }
0x2e: {  	s16 =	ssub.s32 s16, s21  }
0x2f: {  	s21 =	sshll.u32 s16, $0x1  }
0x30: {  	s21 =	sand.u32 $0x1FFFFFFE, s21  }
0x31: {  	s21 =	sadd.s32 s1, s21  }
0x32: {  	[tilespmem:s10], [sflag:$0x1] =	stream.linear.gather [hbm4b:s21+s5], $0x10, $0x38;
	[tilespmem:$0x14100] =	vst v63  }
0x33: {  	_ =	swait.ge [sflag:s9], $0x10  }
0x34: {  	[sflag:s9] =	ssyncset.done $0x0  }
0x35: {  	[sflag:s9] =	ssyncadd.s32 $0xFFFFFFF0  }
0x36: {  	v1 =	vld [tilespmem:$0x14080];
	_ =	sdelay $0x4  }
0x37: {  	(v2sf) =	vpush v1, $0x0;
	_ =	sdelay $0xb  }
.Ltmp3:
0x38: {  	(pc) =	sbr.rel @p0 .LBB2_4-.Ltmp3, $3  }
0x39: {  	_ =	sdelay $0x1  }
0x3a: {  	s21 =	spop (v2sf)  }
0x3b: {  	p1 =	slt.s32 s21, s6  }
0x3c: {  	s19 =	ssub.s32 $0x6BFFF, s17  }
0x3d: {  	s17 =	sshll.u32 s19, $0x1  }
0x3e: {  	s17 =	sand.u32 $0x1FFFFFFE, s17  }
0x3f: {  	s17 =	sadd.s32 s1, s17  }
0x40: {  	[tilespmem:s10], [sflag:$0x1] =	stream.linear.gather [hbm4b:s17+s5], $0x10, $0x38;
	[tilespmem:$0x14100] =	vst v63  }
0x41: {  	_ =	swait.ge [sflag:s9], $0x10  }
0x42: {  	[sflag:s9] =	ssyncset.done $0x0  }
0x43: {  	[sflag:s9] =	ssyncadd.s32 $0xFFFFFFF0  }
0x44: {  	v1 =	vld [tilespmem:$0x14080];
	_ =	sdelay $0x4  }
0x45: {  	(v2sf) =	vpush v1, $0x0;
	_ =	sdelay $0xe  }
0x46: {  	s20 =	spop (v2sf)  }
0x47: {  	s16 =	smov.u32 @p1 s18;
	s17 =	simm.s32 $0x13;
	p1 =	slt.s32 s20, s7  }
.LBB2_6:
0x48: {  	s18 =	smov.u32 s14;
	s14 =	smov.u32 s19  }
0x49: {  	p0 =	sne.s32 s17, $0x1;
	s15 =	smov.u32 @p1 s19;
	s14 =	smov.u32 @p1 s18  }
0x4a: {  	s17 =	sadd.s32 $0xFFFFFFFF, s17;
	s18 =	sadd.s32 s15, s14  }
0x4b: {  	s19 =	sshrl.u32 s18, $0x1F;
	s20 =	sand.u32 $0x1, s18  }
0x4c: {  	p1 =	slt.s32 s18, $0x1;
	s19 =	sadd.s32 s19, s18;
	p2 =	seq.s32 s20, $0x1  }
0x4d: {  	p1 =	por !p1, !p2  }
0x4e: {  	s18 =	sshra.s32 s19, $0x1;
	s19 =	simm.s32 $0x1;
	p1 =	por !p1, !p1  }
0x4f: {  	s19 =	simm.s32 @!p1 $0x0  }
0x50: {  	s19 =	ssub.s32 s18, s19  }
0x51: {  	s18 =	sshll.u32 s19, $0x1  }
0x52: {  	s18 =	sand.u32 $0x1FFFFFFE, s18  }
0x53: {  	s18 =	sadd.s32 s1, s18  }
0x54: {  	[tilespmem:s10], [sflag:$0x1] =	stream.linear.gather [hbm4b:s18+s5], $0x10, $0x38;
	[tilespmem:$0x14100] =	vst v63  }
0x55: {  	_ =	swait.ge [sflag:s9], $0x10  }
0x56: {  	[sflag:s9] =	ssyncset.done $0x0  }
0x57: {  	[sflag:s9] =	ssyncadd.s32 $0xFFFFFFF0  }
0x58: {  	v1 =	vld [tilespmem:$0x14080];
	_ =	sdelay $0x4  }
0x59: {  	(v2sf) =	vpush v1, $0x0;
	_ =	sdelay $0xb  }
.Ltmp4:
0x5a: {  	(pc) =	sbr.rel @p0 .LBB2_6-.Ltmp4, $3  }
0x5b: {  	_ =	sdelay $0x1  }
0x5c: {  	s18 =	spop (v2sf)  }
0x5d: {  	p1 =	slt.s32 s18, s7  }
0x5e: {  	s16 =	sadd.s32 $0xFFFFFFFF, s16  }
0x5f: {  	p0 =	sgt.s32 s16, $0x0  }
0x60: {  	s19 =	smov.u32 @p1 s14;
	s16 =	simm.s32 @!p0 $0x0  }
0x61: {  	s14 =	ssub.s32 s19, s16  }
0x62: {  	s14 =	sshll.u32 s14, $0x4  }
0x63: {  	s14 =	sadd.s32 $0x1FFF, s14  }
0x64: {  	s15 =	sshra.s32 s14, $0x1F  }
0x65: {  	s17 =	sshrl.u32 s15, $0x13  }
0x66: {  	s14 =	sadd.s32 s17, s14  }
0x67: {  	s14 =	sshra.s32 s14, $0xD  }
0x68: {  	s15 =	sadd.s32 s15, s14  }
0x69: {  	p0 =	sgt.s32 s15, $0x0  }
.Ltmp5:
0x6a: {  	_ = 	snop;
	(pc) =	sbr.rel @!p0 .LBB2_15-.Ltmp5, $2  }
0x6b: {  	_ =	sdelay $0x2  }
0x6c: {  	s14 =	simm.s32 $0x0  }
0x6d: {  	s16 =	sshll.u32 s16, $0x4;
	s17 =	simm.s32 $0x0  }
.LBB2_9:
0x6e: {  	s18 =	sshll.u32 s17, $0xD  }
0x6f: {  	s18 =	sadd.s32 s16, s18  }
0x70: {  	p0 =	slt.s32 s18, $0xD7E000  }
0x71: {  	s18 =	simm.s32 @!p0 $0xD7E000  }
0x72: {  	s18 =	sshrl.u32 s18, $0x3  }
0x73: {  	s19 =	sadd.s32 s1, s18  }
0x74: {  	[tilespmem:s5], [sflag:$0x1] =	stream.linear.gather [hbm4b:s19+s5], $0x2010, $0x38;
	[tilespmem:$0x14100] =	vst v63  }
0x75: {  	_ =	swait.ge [sflag:s9], $0x2010  }
0x76: {  	[sflag:s9] =	ssyncset.done $0x0  }
0x77: {  	s18 =	sadd.s32 s3, s18;
	[sflag:s9] =	ssyncadd.s32 $0xFFFFDFF0  }
0x78: {  	[tilespmem:s11], [sflag:$0x1] =	stream.linear.gather [hbm4b:s18+s5], $0x2000, $0x38;
	[tilespmem:$0x14100] =	vst v63  }
0x79: {  	_ =	swait.ge [sflag:s9], $0x2000  }
0x7a: {  	[sflag:s9] =	ssyncset.done $0x0  }
0x7b: {  	[sflag:s9] =	ssyncadd.s32 $0xFFFFE000  }
0x7c: {  	v1 =	vld [tilespmem:$0x1FF0];
	_ =	sdelay $0x4  }
0x7d: {  	(v2sf) =	vpush v1, $0xF;
	_ =	sdelay $0xc  }
0x7e: {  	s21 =	sadd.s32 $0x1, s14  }
0x7f: {  	s31 =	sshll.u32 s21, $0x10  }
0x80: {  	p0 =	sgt.s32 s14, $0x1A;
	s19 =	sadd.s32 s6, s31;
	s18 =	spop (v2sf)  }
0x81: {  	p1 =	sge.s32 @!p0 s18, s19  }
0x82: {  	p1 =	por p0, !p1  }
.Ltmp6:
0x83: {  	_ = 	snop;
	(pc) =	sbr.rel @p1 .LBB2_10-.Ltmp6, $1  }
0x84: {  	_ =	sdelay $0x3  }
.LBB2_22:
0x85: {  	s14 =	sshll.u32 s14, $0x10  }
0x86: {  	s19 =	sadd.s32 s6, s14  }
0x87: {  	s20 =	simm.s32 $0x0;
	s22 =	sadd.s32 $0x10000, s19  }
0x88: {  	s14 =	smov.u32 s21;
	v3 =	vld [tilespmem:s20+$0x1];
	s21 =	simm.s32 $0x40;
	v1 =	vmov s19;
	v2 =	vmov s22  }
.LBB2_23:
0x89: {  	p0 =	sne.s32 s21, $0x7FC0;
	v4 =	vld [tilespmem:s20+$0x0];
	_ =	sdelay $0x4  }
0x8a: {  	vm0 =	vne.s32 v4, v3;
	vm1 =	vge.s32 v4, v1  }
0x8b: {  	v3 =	vsub.s32 v4, v1;
	vm0 =	vmand vm1, vm0;
	vm1 =	vlt.s32 v4, v2  }
0x8c: {  	v3 =	vand.u32 $0xFFFFFF80, v3;
	v4 =	vand.u32 $0x7F, v4;
	vm0 =	vmand vm1, vm0  }
0x8d: {  	v3 =	vor.u32 v4, v3;
	v5 =	vld [tilespmem:s20+$0x2080];
	_ =	sdelay $0x1  }
.Ltmp7:
0x8e: {  	(pc) =	sbr.rel @p0 .LBB2_23-.Ltmp7, $3  }
0x8f: {  	_ =	sdelay $0x1  }
0x90: {  	s20 =	sshra.s32 s21, $0x2;
	[tilespmem:v3+s12+$0x0] =	vst.idx.msk vm0, v5  }
0x91: {  	s21 =	sadd.s32 $0x40, s21;
	v3 =	vld [tilespmem:s20+$0x1]  }
0x92: {  	v4 =	vld [tilespmem:s20+$0x0];
	_ =	sdelay $0x4  }
0x93: {  	vm0 =	vne.s32 v4, v3;
	vm1 =	vge.s32 v4, v1  }
0x94: {  	vm15 =	vlt.s32 v4, v2;
	v1 =	vsub.s32 v4, v1;
	vm0 =	vmand vm1, vm0  }
0x95: {  	v2 =	vand.u32 $0x7F, v4;
	v1 =	vand.u32 $0xFFFFFF80, v1;
	vm0 =	vmand vm15, vm0  }
0x96: {  	v3 =	vld [tilespmem:s20+$0x2080];
	v1 =	vor.u32 v2, v1;
	_ =	sdelay $0x3  }
0x97: {  	s19 =	sshrl.u32 s19, $0x3  }
0x98: {  	s31 =	simm.s32 $0x0;
	s19 =	sadd.s32 s4, s19;
	[tilespmem:v1+s12+$0x0] =	vst.idx.msk vm0, v3  }
0x99: {  	[hbm4b:s19+s31] =	stream.linear.scatter [tilespmem:s12], [sflag:$0x1], $0x10000, $0x38;
	[tilespmem:$0x14100] =	vst v63  }
0x9a: {  	_ =	swait.ge [sflag:s9], $0x10000  }
0x9b: {  	[sflag:s9] =	ssyncset.done $0x0  }
0x9c: {  	s20 =	simm.s32 $0x0;
	s19 =	simm.s32 $0x40;
	[sflag:s9] =	ssyncadd.s32 $0xFFFF0000  }
.LBB2_25:
0x9d: {  	p0 =	seq.s32 s19, $0x3FFC0;
	[tilespmem:s20+$0x4080] =	vst v0;
	s20 =	smov.u32 s19;
	s19 =	sadd.s32 $0x40, s19  }
.Ltmp8:
0x9e: {  	(pc) =	sbr.rel @!p0 .LBB2_25-.Ltmp8, $2  }
0x9f: {  	_ =	sdelay $0x2  }
0xa0: {  	s20 =	sshra.s32 s20, $0x2  }
0xa1: {  	[tilespmem:s20+$0x4080] =	vst v0  }
0xa2: {  	s21 =	sadd.s32 $0x1, s14  }
0xa3: {  	s19 =	sshll.u32 s21, $0x10  }
0xa4: {  	p0 =	sgt.s32 s14, $0x1A;
	s19 =	sadd.s32 s6, s19  }
0xa5: {  	p1 =	slt.s32 @!p0 s18, s19  }
0xa6: {  	p1 =	por p0, p1  }
.Ltmp9:
0xa7: {  	_ = 	snop;
	(pc) =	sbr.rel @!p1 .LBB2_22-.Ltmp9, $1  }
0xa8: {  	_ =	sdelay $0x3  }
.Ltmp10:
0xa9: {  	(pc) =	sbr.rel .LBB2_11-.Ltmp10, $2  }
0xaa: {  	_ =	sdelay $0x2  }
0xab: {  	s14 =	smov.u32 @p0 s14  }
.LBB2_10:
0xac: {  	s14 =	smov.u32 @p0 s14  }
.LBB2_11:
0xad: {  	s18 =	sshll.u32 s14, $0x10  }
0xae: {  	s19 =	sadd.s32 s6, s18  }
0xaf: {  	s18 =	simm.s32 $0x0;
	s20 =	sadd.s32 $0x10000, s19  }
0xb0: {  	v1 =	vmov s19;
	v3 =	vld [tilespmem:s18+$0x1];
	s19 =	simm.s32 $0x40;
	v2 =	vmov s20  }
.LBB2_12:
0xb1: {  	p0 =	sne.s32 s19, $0x7FC0;
	v4 =	vld [tilespmem:s18+$0x0];
	_ =	sdelay $0x4  }
0xb2: {  	vm0 =	vne.s32 v4, v3;
	vm1 =	vge.s32 v4, v1  }
0xb3: {  	v3 =	vsub.s32 v4, v1;
	vm0 =	vmand vm1, vm0;
	vm1 =	vlt.s32 v4, v2  }
0xb4: {  	v3 =	vand.u32 $0xFFFFFF80, v3;
	v4 =	vand.u32 $0x7F, v4;
	vm0 =	vmand vm1, vm0  }
0xb5: {  	v3 =	vor.u32 v4, v3;
	v5 =	vld [tilespmem:s18+$0x2080];
	_ =	sdelay $0x1  }
.Ltmp11:
0xb6: {  	(pc) =	sbr.rel @p0 .LBB2_12-.Ltmp11, $3  }
0xb7: {  	_ =	sdelay $0x1  }
0xb8: {  	s18 =	sshra.s32 s19, $0x2;
	[tilespmem:v3+s12+$0x0] =	vst.idx.msk vm0, v5  }
0xb9: {  	s19 =	sadd.s32 $0x40, s19;
	v3 =	vld [tilespmem:s18+$0x1]  }
0xba: {  	v4 =	vld [tilespmem:s18+$0x0];
	_ =	sdelay $0x4  }
0xbb: {  	vm0 =	vne.s32 v4, v3;
	vm1 =	vge.s32 v4, v1  }
0xbc: {  	vm15 =	vlt.s32 v4, v2;
	v1 =	vsub.s32 v4, v1;
	vm0 =	vmand vm1, vm0  }
0xbd: {  	s17 =	sadd.s32 $0x1, s17;
	v2 =	vand.u32 $0x7F, v4;
	v1 =	vand.u32 $0xFFFFFF80, v1;
	vm0 =	vmand vm15, vm0  }
0xbe: {  	p0 =	seq.s32 s17, s15;
	v3 =	vld [tilespmem:s18+$0x2080];
	v1 =	vor.u32 v2, v1  }
.Ltmp12:
0xbf: {  	_ = 	snop;
	(pc) =	sbr.rel @!p0 .LBB2_9-.Ltmp12, $2  }
0xc0: {  	_ =	sdelay $0x2  }
0xc1: {  	[tilespmem:v1+s12+$0x0] =	vst.idx.msk vm0, v3  }
0xc2: {  	p0 =	sgt.s32 s14, $0x1A  }
.Ltmp13:
0xc3: {  	_ = 	snop;
	(pc) =	sbr.rel @p0 .LBB2_18-.Ltmp13, $1  }
0xc4: {  	_ =	sdelay $0x3  }
.LBB2_15:
0xc5: {  	s15 =	sshll.u32 s14, $0x10  }
0xc6: {  	s15 =	sadd.s32 s6, s15  }
0xc7: {  	s15 =	sshrl.u32 s15, $0x3  }
0xc8: {  	s16 =	simm.s32 $0x0;
	s15 =	sadd.s32 s4, s15  }
0xc9: {  	[hbm4b:s15+s16] =	stream.linear.scatter [tilespmem:s12], [sflag:$0x1], $0x10000, $0x38;
	[tilespmem:$0x14100] =	vst v63  }
0xca: {  	_ =	swait.ge [sflag:s9], $0x10000  }
0xcb: {  	[sflag:s9] =	ssyncset.done $0x0  }
0xcc: {  	s15 =	simm.s32 $0x40;
	s16 =	simm.s32 $0x0;
	[sflag:s9] =	ssyncadd.s32 $0xFFFF0000  }
.LBB2_16:
0xcd: {  	p0 =	sne.s32 s15, $0x3FFC0;
	[tilespmem:s16+$0x4080] =	vst v0;
	s16 =	smov.u32 s15;
	s15 =	sadd.s32 $0x40, s15  }
.Ltmp14:
0xce: {  	(pc) =	sbr.rel @p0 .LBB2_16-.Ltmp14, $2  }
0xcf: {  	_ =	sdelay $0x2  }
0xd0: {  	s16 =	sshra.s32 s16, $0x2  }
0xd1: {  	s14 =	sadd.s32 $0x1, s14  }
0xd2: {  	p0 =	sne.s32 s14, $0x1B  }
.Ltmp15:
0xd3: {  	_ = 	snop;
	(pc) =	sbr.rel @p0 .LBB2_15-.Ltmp15, $4  }
.Ltmp16:
0xd4: {  	_ = 	snop;
	(pc) =	sbr.rel @!p0 .LBB2_18-.Ltmp16, $4  }
0xd5: {  	_ = 	snop  }
0xd6: {  	_ = 	snop  }
0xd7: {  	[tilespmem:s16+$0x4080] =	vst v0  }
0xd8: {  	_ = 	snop  }
.LBB2_19:
0xd9: {  	_ =	sfence.sel $0x180000  }
0xda: {  	[bflag:$0x0] =	sbarrier.arrive $0xFFFF  }
0xdb: {  	p0 =	sne.s32 s0, $0x0;
	_ =	strace $0x90000047  }
0xdc: {  	s0 =	sadd.s32 @!p0 $0x100000, s2;
	[bflag:$0x2] =	sbarrier.arrive $0xFFFF  }
0xdd: {  	[sflag:s0] =	ssyncadd.tile.s32 @!p0 $0x1;
	_ =	shalt  }
.Lfunc_end2:
_tile_overlayer_lowered:
.L_overlay_start_2:
0xde: {  	(tag) =	ssettag $0x2  }
0xdf: {  	s0 =	rddreg [dreg:$0x0];
	s2 =	stileid.u32  }
0xe0: {  	s1 =	rddreg [dreg:$0x1];
	p0 =	sne.s32 s2, $0x0  }
0xe1: {  	s3 =	rddreg [dreg:$0x2];
	[bflag:$0x3] =	sbarrier.arrive $0xFFFF;
	s2 =	simm.s32 @!p0 $0x1C01  }
0xe2: {  	[timem:s3], [sflag:s2] =	dma.local @!p0 [hbm:s0], s1  }
0xe3: {  	s0 =	simm.s32 @!p0 $0x1  }
0xe4: {  	_ =	swait.ge @!p0 [sflag:s0], s1  }
0xe5: {  	s1 =	ssub.s32 @!p0 $0x0, s1;
	[sflag:s0] =	ssyncset.done @!p0 $0x0  }
0xe6: {  	[sflag:s0] =	ssyncadd.s32 @!p0 s1  }
0xe7: {  	[bflag:$0x3] =	sbarrier.arrive $0xFFFF  }
0xe8: {  	_ =	shalt  }

</sc_bundles>
